<compile_context>
chip_gen: v7x
topology: tpu7x:2x2x1
jax: 0.10.2.dev20260603
libtpu: 0.0.44.dev20260713+nightly
codegen_flags: <defaults>
</compile_context>

<pallas_src>
import functools

import jax
import jax.numpy as jnp
from jax import lax
from jax.experimental import pallas as pl
from jax.experimental.pallas import tpu as pltpu
from jax.experimental.pallas import tpu_sc as plsc

VOCAB = 1000
B = 1024
T = 50
N = B * T
NC = 2
NS = 16
L = 16
NW = NC * NS
TOK_PER_W = N // NW
GRP = 64
NGRP = TOK_PER_W // GRP
LSE_PAD = 1024


def _lse_body(table_ref, out_ref):
    x = table_ref[...]
    m = jnp.max(x, axis=1, keepdims=True)
    s = jnp.sum(jnp.exp(x - m), axis=1, keepdims=True)
    out_ref[...] = jnp.log(s) + m


_lse_call = pl.pallas_call(
    _lse_body,
    out_shape=jax.ShapeDtypeStruct((VOCAB, 1), jnp.float32),
)


TC2 = 2


def _mm_body(idxT_ref, hiT_ref, out_ref):
    for s in range(TC2):
        idxv = idxT_ref[s, 0, :]
        iota2 = lax.broadcasted_iota(jnp.int32, (VOCAB, B), 0)
        oh = (iota2 == idxv[None, :]).astype(jnp.bfloat16)
        out_ref[s] = jnp.dot(
            hiT_ref[...], oh, preferred_element_type=jnp.float32)


_mm_call = pl.pallas_call(
    _mm_body,
    grid=(T // TC2,),
    in_specs=[
        pl.BlockSpec((TC2, 1, B), lambda t: (t, 0, 0)),
        pl.BlockSpec((VOCAB, VOCAB), lambda t: (0, 0)),
    ],
    out_specs=pl.BlockSpec((TC2, VOCAB, B), lambda t: (t, 0, 0)),
    out_shape=jax.ShapeDtypeStruct((T, VOCAB, B), jnp.float32),
)


@functools.partial(
    pl.kernel,
    out_type=jax.ShapeDtypeStruct((NW, L), jnp.float32),
    mesh=plsc.VectorSubcoreMesh(
        core_axis_name="c", subcore_axis_name="s",
        num_cores=NC, num_subcores=NS,
    ),
    compiler_params=pltpu.CompilerParams(
        needs_layout_passes=False, use_tc_tiling_on_sc=False),
    scratch_types=(
        pltpu.VMEM((TOK_PER_W,), jnp.int32),
        pltpu.VMEM((TOK_PER_W,), jnp.int32),
        pltpu.VMEM((LSE_PAD,), jnp.float32),
        pltpu.VMEM((GRP,), jnp.int32),
        pltpu.VMEM((GRP,), jnp.float32),
        pltpu.VMEM((L,), jnp.float32),
        pltpu.SemaphoreType.DMA,
    ),
)
def _sc_loss(tabflat_hbm, idx_hbm, tgt_hbm, lse_hbm, psum_hbm,
             idx_v, tgt_v, lse_v, fidx_v, tv_v, acc_v, sem):
    wid = lax.axis_index("s") * NC + lax.axis_index("c")
    base = wid * TOK_PER_W
    pltpu.sync_copy(idx_hbm.at[pl.ds(base, TOK_PER_W)], idx_v)
    pltpu.sync_copy(tgt_hbm.at[pl.ds(base, TOK_PER_W)], tgt_v)
    pltpu.sync_copy(lse_hbm, lse_v)

    def group_body(g, acc):
        off = g * GRP
        toks = []
        for q in range(GRP // L):
            tok = idx_v[pl.ds(off + q * L, L)]
            col = tgt_v[pl.ds(off + q * L, L)]
            fidx_v[pl.ds(q * L, L)] = tok * VOCAB + col
            toks.append(tok)
        pltpu.async_copy(tabflat_hbm.at[fidx_v], tv_v, sem).wait()
        for q in range(GRP // L):
            lse_tok = plsc.load_gather(lse_v, [toks[q]])
            acc = acc + (lse_tok - tv_v[pl.ds(q * L, L)])
        return acc

    acc = lax.fori_loop(0, NGRP, group_body, jnp.zeros((L,), jnp.float32))
    acc_v[...] = jnp.full((L,), jnp.sum(acc), jnp.float32)
    pltpu.sync_copy(acc_v, psum_hbm.at[wid])


def kernel(inputs, targets, table):
    idx_t = inputs.T.reshape(T, 1, B)
    hi_t = table.T.astype(jnp.bfloat16)
    lse_col = _lse_call(table)
    lse_flat = jnp.pad(lse_col[:, 0], (0, LSE_PAD - VOCAB))
    psum = _sc_loss(table.reshape(VOCAB * VOCAB),
                    inputs.reshape(N), targets.reshape(N), lse_flat)
    logits_t = _mm_call(idx_t, hi_t)
    loss = jnp.sum(psum[:, 0]) / N
    return (jnp.transpose(logits_t, (2, 0, 1)), loss)

# --- scband reference (transcript-rebuilt; emitter-appended) ---
"""Pipeline reference for scband-bigram-language-model-49400713838751 (READ-ONLY COPY).

The authoritative reference and input builder live on the scoring server;
editing this copy changes nothing except your own understanding.
"""

import jax, jax.numpy as jnp
import numpy as np

VOCAB = 1000
B = 1024
T = 50

def setup_inputs(seed: int = 0) -> dict:
    key = jax.random.key(seed)
    k1, k2, k3 = jax.random.split(key, 3)
    inputs = jax.random.randint(k1, (B, T), 0, VOCAB, dtype=jnp.int32)
    targets = jax.random.randint(k2, (B, T), 0, VOCAB, dtype=jnp.int32)
    # learned embedding table: [vocab_size, vocab_size]
    table = jax.random.normal(k3, (VOCAB, VOCAB), dtype=jnp.float32) * 0.05
    return {"inputs": inputs, "targets": targets, "table": table}

def reference(inputs, targets, table):
    # token embedding lookup -> logits directly (bigram model)
    logits = jnp.take(table, inputs, axis=0)  # [B, T, VOCAB]
    logits_r = jnp.reshape(logits, (B * T, VOCAB))
    targets_r = jnp.reshape(targets, (B * T,))
    # tf.nn.sparse_softmax_cross_entropy_with_logits equivalent
    logp = jax.nn.log_softmax(logits_r, axis=-1)
    nll = -jnp.take_along_axis(logp, targets_r[:, None], axis=1)[:, 0]
    loss = jnp.mean(nll)
    return (logits, loss)

if __name__ == "__main__":
    import jax
    _d = setup_inputs()
    print(jax.jit(kernel)(*tuple(_d.values())))

</pallas_src>

<mosaic_0001>
#map = affine_map<(d0, d1) -> (0)>
#map1 = affine_map<(d0, d1) -> (0, 0)>
module attributes {stable_mosaic.version = 14 : i64} {
  func.func @_sc_loss(%arg0: i32, %arg1: i32, %arg2: memref<1000000xf32, #tpu.memory_space<hbm>>, %arg3: memref<51200xi32, #tpu.memory_space<hbm>>, %arg4: memref<51200xi32, #tpu.memory_space<hbm>>, %arg5: memref<1024xf32, #tpu.memory_space<hbm>>, %arg6: memref<32x16xf32, #tpu.memory_space<hbm>>, %arg7: memref<1600xi32, #tpu.memory_space<vmem>>, %arg8: memref<1600xi32, #tpu.memory_space<vmem>>, %arg9: memref<1024xf32, #tpu.memory_space<vmem>>, %arg10: memref<64xi32, #tpu.memory_space<vmem>>, %arg11: memref<64xf32, #tpu.memory_space<vmem>>, %arg12: memref<16xf32, #tpu.memory_space<vmem>>, %arg13: memref<!tpu.dma_semaphore, #tpu.memory_space<semaphore_mem>>) attributes {dimension_semantics = [#tpu.dimension_semantics<core_parallel>, #tpu.dimension_semantics<subcore_parallel>], iteration_bounds = array<i64: 2, 16>, scalar_prefetch = 0 : i64, scratch_operands = 7 : i64, tpu.core_type = #tpu.core_type<sc_vector_subcore>, window_params = [{transform_indices = #map}, {transform_indices = #map}, {transform_indices = #map}, {transform_indices = #map}, {transform_indices = #map1}]} {
    %mul3A = arith.constant 2 : i32
    %mul3A_0 = arith.muli %arg1, %mul3A : i32
    %add3A = arith.addi %mul3A_0, %arg0 : i32
    %mul3A_1 = arith.constant 1600 : i32
    %mul3A_2 = arith.muli %add3A, %mul3A_1 : i32
    "tpu.region"() ({
      %run_scoped3A = tpu.sem_alloc : memref<!tpu.dma_semaphore, #tpu.memory_space<semaphore_mem>>
      %dma_start3A = tpu.memref_slice %arg3[%mul3A_2] : memref<51200xi32, #tpu.memory_space<hbm>> -> memref<1600xi32, #tpu.memory_space<hbm>>
      %dma_start3A_14 = tpu.memref_slice %arg3[%mul3A_2] : memref<51200xi32, #tpu.memory_space<hbm>> -> memref<1600xi32, #tpu.memory_space<hbm>>
      tpu.enqueue_dma source(%dma_start3A_14 : memref<1600xi32, #tpu.memory_space<hbm>>) target(%arg7 : memref<1600xi32, #tpu.memory_space<vmem>>) target_semaphore(%run_scoped3A : memref<!tpu.dma_semaphore, #tpu.memory_space<semaphore_mem>>)
      %dma_wait3A = tpu.memref_slice %arg3[%mul3A_2] : memref<51200xi32, #tpu.memory_space<hbm>> -> memref<1600xi32, #tpu.memory_space<hbm>>
      %dma_wait3A_15 = tpu.memref_slice %arg3[%mul3A_2] : memref<51200xi32, #tpu.memory_space<hbm>> -> memref<1600xi32, #tpu.memory_space<hbm>>
      tpu.wait_dma2 semaphore(%run_scoped3A : memref<!tpu.dma_semaphore, #tpu.memory_space<semaphore_mem>>) src(%dma_wait3A_15 : memref<1600xi32, #tpu.memory_space<hbm>>) dst(%arg7 : memref<1600xi32, #tpu.memory_space<vmem>>)
      tpu.yield
    }) : () -> ()
    "tpu.region"() ({
      %run_scoped3A = tpu.sem_alloc : memref<!tpu.dma_semaphore, #tpu.memory_space<semaphore_mem>>
      %dma_start3A = tpu.memref_slice %arg4[%mul3A_2] : memref<51200xi32, #tpu.memory_space<hbm>> -> memref<1600xi32, #tpu.memory_space<hbm>>
      %dma_start3A_14 = tpu.memref_slice %arg4[%mul3A_2] : memref<51200xi32, #tpu.memory_space<hbm>> -> memref<1600xi32, #tpu.memory_space<hbm>>
      tpu.enqueue_dma source(%dma_start3A_14 : memref<1600xi32, #tpu.memory_space<hbm>>) target(%arg8 : memref<1600xi32, #tpu.memory_space<vmem>>) target_semaphore(%run_scoped3A : memref<!tpu.dma_semaphore, #tpu.memory_space<semaphore_mem>>)
      %dma_wait3A = tpu.memref_slice %arg4[%mul3A_2] : memref<51200xi32, #tpu.memory_space<hbm>> -> memref<1600xi32, #tpu.memory_space<hbm>>
      %dma_wait3A_15 = tpu.memref_slice %arg4[%mul3A_2] : memref<51200xi32, #tpu.memory_space<hbm>> -> memref<1600xi32, #tpu.memory_space<hbm>>
      tpu.wait_dma2 semaphore(%run_scoped3A : memref<!tpu.dma_semaphore, #tpu.memory_space<semaphore_mem>>) src(%dma_wait3A_15 : memref<1600xi32, #tpu.memory_space<hbm>>) dst(%arg8 : memref<1600xi32, #tpu.memory_space<vmem>>)
      tpu.yield
    }) : () -> ()
    "tpu.region"() ({
      %run_scoped3A = tpu.sem_alloc : memref<!tpu.dma_semaphore, #tpu.memory_space<semaphore_mem>>
      tpu.enqueue_dma source(%arg5 : memref<1024xf32, #tpu.memory_space<hbm>>) target(%arg9 : memref<1024xf32, #tpu.memory_space<vmem>>) target_semaphore(%run_scoped3A : memref<!tpu.dma_semaphore, #tpu.memory_space<semaphore_mem>>)
      tpu.wait_dma2 semaphore(%run_scoped3A : memref<!tpu.dma_semaphore, #tpu.memory_space<semaphore_mem>>) src(%arg5 : memref<1024xf32, #tpu.memory_space<hbm>>) dst(%arg9 : memref<1024xf32, #tpu.memory_space<vmem>>)
      tpu.yield
    }) : () -> ()
    %broadcast_in_dim3A = arith.constant 0.000000e+00 : f32
    %broadcast_in_dim3A_3 = vector.broadcast %broadcast_in_dim3A : f32 to vector<16xf32>
    %scan3A = arith.constant 0 : i32
    %scan3A_4 = arith.constant 25 : i32
    %scan3A_5 = arith.addi %scan3A, %scan3A_4 : i32
    %scan3A_6 = arith.constant 1 : i32
    %scan3A_7 = scf.for %scan3A_14 = %scan3A to %scan3A_5 step %scan3A_6 iter_args(%scan3A_15 = %broadcast_in_dim3A_3) -> (vector<16xf32>)  : i32 {
      %mul3A_16 = arith.constant 64 : i32
      %mul3A_17 = arith.muli %scan3A_14, %mul3A_16 : i32
      %add3A_18 = arith.constant 0 : i32
      %add3A_19 = arith.addi %mul3A_17, %add3A_18 : i32
      %get3A = arith.index_cast %add3A_19 : i32 to index
      %get3A_20 = tpu.vector_load %arg7[%get3A] {strides = array<i32>} : memref<1600xi32, #tpu.memory_space<vmem>>, vector<16xi32>,
      %add3A_21 = arith.constant 0 : i32
      %add3A_22 = arith.addi %mul3A_17, %add3A_21 : i32
      %get3A_23 = arith.index_cast %add3A_22 : i32 to index
      %get3A_24 = tpu.vector_load %arg8[%get3A_23] {strides = array<i32>} : memref<1600xi32, #tpu.memory_space<vmem>>, vector<16xi32>,
      %mul3A_25 = arith.constant 1000 : i32
      %mul3A_26 = vector.broadcast %mul3A_25 : i32 to vector<16xi32>
      %mul3A_27 = arith.muli %get3A_20, %mul3A_26 : vector<16xi32>
      %add3A_28 = arith.addi %mul3A_27, %get3A_24 : vector<16xi32>
      %swap3A_29 = arith.constant 0 : index
      %swap3A_30 = tpu.vector_load %arg10[%swap3A_29] {strides = array<i32>} : memref<64xi32, #tpu.memory_space<vmem>>, vector<16xi32>,
      tpu.vector_store %arg10[%swap3A_29], %add3A_28 {strides = array<i32>} : memref<64xi32, #tpu.memory_space<vmem>>, vector<16xi32>,
      %add3A_31 = arith.constant 16 : i32
      %add3A_32 = arith.addi %mul3A_17, %add3A_31 : i32
      %get3A_33 = arith.index_cast %add3A_32 : i32 to index
      %get3A_34 = tpu.vector_load %arg7[%get3A_33] {strides = array<i32>} : memref<1600xi32, #tpu.memory_space<vmem>>, vector<16xi32>,
      %add3A_35 = arith.constant 16 : i32
      %add3A_36 = arith.addi %mul3A_17, %add3A_35 : i32
      %get3A_37 = arith.index_cast %add3A_36 : i32 to index
      %get3A_38 = tpu.vector_load %arg8[%get3A_37] {strides = array<i32>} : memref<1600xi32, #tpu.memory_space<vmem>>, vector<16xi32>,
      %mul3A_39 = arith.constant 1000 : i32
      %mul3A_40 = vector.broadcast %mul3A_39 : i32 to vector<16xi32>
      %mul3A_41 = arith.muli %get3A_34, %mul3A_40 : vector<16xi32>
      %add3A_42 = arith.addi %mul3A_41, %get3A_38 : vector<16xi32>
      %swap3A_43 = arith.constant 16 : index
      %swap3A_44 = tpu.vector_load %arg10[%swap3A_43] {strides = array<i32>} : memref<64xi32, #tpu.memory_space<vmem>>, vector<16xi32>,
      tpu.vector_store %arg10[%swap3A_43], %add3A_42 {strides = array<i32>} : memref<64xi32, #tpu.memory_space<vmem>>, vector<16xi32>,
      %add3A_45 = arith.constant 32 : i32
      %add3A_46 = arith.addi %mul3A_17, %add3A_45 : i32
      %get3A_47 = arith.index_cast %add3A_46 : i32 to index
      %get3A_48 = tpu.vector_load %arg7[%get3A_47] {strides = array<i32>} : memref<1600xi32, #tpu.memory_space<vmem>>, vector<16xi32>,
      %add3A_49 = arith.constant 32 : i32
      %add3A_50 = arith.addi %mul3A_17, %add3A_49 : i32
      %get3A_51 = arith.index_cast %add3A_50 : i32 to index
      %get3A_52 = tpu.vector_load %arg8[%get3A_51] {strides = array<i32>} : memref<1600xi32, #tpu.memory_space<vmem>>, vector<16xi32>,
      %mul3A_53 = arith.constant 1000 : i32
      %mul3A_54 = vector.broadcast %mul3A_53 : i32 to vector<16xi32>
      %mul3A_55 = arith.muli %get3A_48, %mul3A_54 : vector<16xi32>
      %add3A_56 = arith.addi %mul3A_55, %get3A_52 : vector<16xi32>
      %swap3A_57 = arith.constant 32 : index
      %swap3A_58 = tpu.vector_load %arg10[%swap3A_57] {strides = array<i32>} : memref<64xi32, #tpu.memory_space<vmem>>, vector<16xi32>,
      tpu.vector_store %arg10[%swap3A_57], %add3A_56 {strides = array<i32>} : memref<64xi32, #tpu.memory_space<vmem>>, vector<16xi32>,
      %add3A_59 = arith.constant 48 : i32
      %add3A_60 = arith.addi %mul3A_17, %add3A_59 : i32
      %get3A_61 = arith.index_cast %add3A_60 : i32 to index
      %get3A_62 = tpu.vector_load %arg7[%get3A_61] {strides = array<i32>} : memref<1600xi32, #tpu.memory_space<vmem>>, vector<16xi32>,
      %add3A_63 = arith.constant 48 : i32
      %add3A_64 = arith.addi %mul3A_17, %add3A_63 : i32
      %get3A_65 = arith.index_cast %add3A_64 : i32 to index
      %get3A_66 = tpu.vector_load %arg8[%get3A_65] {strides = array<i32>} : memref<1600xi32, #tpu.memory_space<vmem>>, vector<16xi32>,
      %mul3A_67 = arith.constant 1000 : i32
      %mul3A_68 = vector.broadcast %mul3A_67 : i32 to vector<16xi32>
      %mul3A_69 = arith.muli %get3A_62, %mul3A_68 : vector<16xi32>
      %add3A_70 = arith.addi %mul3A_69, %get3A_66 : vector<16xi32>
      %swap3A_71 = arith.constant 48 : index
      %swap3A_72 = tpu.vector_load %arg10[%swap3A_71] {strides = array<i32>} : memref<64xi32, #tpu.memory_space<vmem>>, vector<16xi32>,
      tpu.vector_store %arg10[%swap3A_71], %add3A_70 {strides = array<i32>} : memref<64xi32, #tpu.memory_space<vmem>>, vector<16xi32>,
      %dma_start3A = arith.constant 0 : i32
      %dma_start3A_73 = tpu.memref_slice %arg2[%dma_start3A] : memref<1000000xf32, #tpu.memory_space<hbm>> -> memref<1000000xf32, #tpu.memory_space<hbm>>
      tpu.enqueue_indirect_dma source(%dma_start3A_73 : memref<1000000xf32, #tpu.memory_space<hbm>>) target(%arg11 : memref<64xf32, #tpu.memory_space<vmem>>) offsets(%arg10 : memref<64xi32, #tpu.memory_space<vmem>>) semaphore(%arg13 : memref<!tpu.dma_semaphore, #tpu.memory_space<semaphore_mem>>)
      %dma_wait3A = arith.constant 0 : i32
      %dma_wait3A_74 = tpu.memref_slice %arg2[%dma_wait3A] : memref<1000000xf32, #tpu.memory_space<hbm>> -> memref<1000000xf32, #tpu.memory_space<hbm>>
      tpu.wait_indirect_dma semaphore(%arg13 : memref<!tpu.dma_semaphore, #tpu.memory_space<semaphore_mem>>) src(%dma_wait3A_74 : memref<1000000xf32, #tpu.memory_space<hbm>>) dst(%arg11 : memref<64xf32, #tpu.memory_space<vmem>>)
      %gather3A = tpu.vector_load_idx %arg9[%get3A_20] : memref<1024xf32, #tpu.memory_space<vmem>>[vector<16xi32>], vector<16xf32>,
      %get3A_75 = arith.constant 0 : index
      %get3A_76 = tpu.vector_load %arg11[%get3A_75] {strides = array<i32>} : memref<64xf32, #tpu.memory_space<vmem>>, vector<16xf32>,
      %sub3A = arith.subf %gather3A, %get3A_76 : vector<16xf32>
      %add3A_77 = arith.addf %scan3A_15, %sub3A : vector<16xf32>
      %gather3A_78 = tpu.vector_load_idx %arg9[%get3A_34] : memref<1024xf32, #tpu.memory_space<vmem>>[vector<16xi32>], vector<16xf32>,
      %get3A_79 = arith.constant 16 : index
      %get3A_80 = tpu.vector_load %arg11[%get3A_79] {strides = array<i32>} : memref<64xf32, #tpu.memory_space<vmem>>, vector<16xf32>,
      %sub3A_81 = arith.subf %gather3A_78, %get3A_80 : vector<16xf32>
      %add3A_82 = arith.addf %add3A_77, %sub3A_81 : vector<16xf32>
      %gather3A_83 = tpu.vector_load_idx %arg9[%get3A_48] : memref<1024xf32, #tpu.memory_space<vmem>>[vector<16xi32>], vector<16xf32>,
      %get3A_84 = arith.constant 32 : index
      %get3A_85 = tpu.vector_load %arg11[%get3A_84] {strides = array<i32>} : memref<64xf32, #tpu.memory_space<vmem>>, vector<16xf32>,
      %sub3A_86 = arith.subf %gather3A_83, %get3A_85 : vector<16xf32>
      %add3A_87 = arith.addf %add3A_82, %sub3A_86 : vector<16xf32>
      %gather3A_88 = tpu.vector_load_idx %arg9[%get3A_62] : memref<1024xf32, #tpu.memory_space<vmem>>[vector<16xi32>], vector<16xf32>,
      %get3A_89 = arith.constant 48 : index
      %get3A_90 = tpu.vector_load %arg11[%get3A_89] {strides = array<i32>} : memref<64xf32, #tpu.memory_space<vmem>>, vector<16xf32>,
      %sub3A_91 = arith.subf %gather3A_88, %get3A_90 : vector<16xf32>
      %add3A_92 = arith.addf %add3A_87, %sub3A_91 : vector<16xf32>
      scf.yield %add3A_92 : vector<16xf32>
    }
    %scan3A_8 = arith.constant 25 : i32
    %reduce_sum3A = arith.constant true
    %reduce_sum3A_9 = vector.broadcast %reduce_sum3A : i1 to vector<16xi1>
    %reduce_sum3A_10 = tpu.scan <sum>, %scan3A_7 masked %reduce_sum3A_9 : vector<16xf32>, vector<16xi1> -> vector<16xf32>
    %reduce_sum3A_11 = vector.extract %reduce_sum3A_10[15] : f32 from vector<16xf32>
    %broadcast_in_dim3A_12 = vector.broadcast %reduce_sum3A_11 : f32 to vector<16xf32>
    %swap3A = arith.constant 0 : index
    %swap3A_13 = tpu.vector_load %arg12[%swap3A] {strides = array<i32>} : memref<16xf32, #tpu.memory_space<vmem>>, vector<16xf32>,
    tpu.vector_store %arg12[%swap3A], %broadcast_in_dim3A_12 {strides = array<i32>} : memref<16xf32, #tpu.memory_space<vmem>>, vector<16xf32>,
    "tpu.region"() ({
      %run_scoped3A = tpu.sem_alloc : memref<!tpu.dma_semaphore, #tpu.memory_space<semaphore_mem>>
      %dma_start3A = arith.constant 0 : i32
      %dma_start3A_14 = tpu.memref_slice %arg6[%add3A, %dma_start3A] : memref<32x16xf32, #tpu.memory_space<hbm>> -> memref<1x16xf32, #tpu.memory_space<hbm>>
      %dma_start3A_15 = tpu.memref_squeeze %dma_start3A_14 : memref<1x16xf32, #tpu.memory_space<hbm>> -> memref<16xf32, #tpu.memory_space<hbm>>
      %dma_start3A_16 = arith.constant 0 : i32
      %dma_start3A_17 = tpu.memref_slice %arg6[%add3A, %dma_start3A_16] : memref<32x16xf32, #tpu.memory_space<hbm>> -> memref<1x16xf32, #tpu.memory_space<hbm>>
      %dma_start3A_18 = tpu.memref_squeeze %dma_start3A_17 : memref<1x16xf32, #tpu.memory_space<hbm>> -> memref<16xf32, #tpu.memory_space<hbm>>
      tpu.enqueue_dma source(%arg12 : memref<16xf32, #tpu.memory_space<vmem>>) target(%dma_start3A_18 : memref<16xf32, #tpu.memory_space<hbm>>) target_semaphore(%run_scoped3A : memref<!tpu.dma_semaphore, #tpu.memory_space<semaphore_mem>>)
      %dma_wait3A = arith.constant 0 : i32
      %dma_wait3A_19 = tpu.memref_slice %arg6[%add3A, %dma_wait3A] : memref<32x16xf32, #tpu.memory_space<hbm>> -> memref<1x16xf32, #tpu.memory_space<hbm>>
      %dma_wait3A_20 = tpu.memref_squeeze %dma_wait3A_19 : memref<1x16xf32, #tpu.memory_space<hbm>> -> memref<16xf32, #tpu.memory_space<hbm>>
      %dma_wait3A_21 = arith.constant 0 : i32
      %dma_wait3A_22 = tpu.memref_slice %arg6[%add3A, %dma_wait3A_21] : memref<32x16xf32, #tpu.memory_space<hbm>> -> memref<1x16xf32, #tpu.memory_space<hbm>>
      %dma_wait3A_23 = tpu.memref_squeeze %dma_wait3A_22 : memref<1x16xf32, #tpu.memory_space<hbm>> -> memref<16xf32, #tpu.memory_space<hbm>>
      tpu.wait_dma2 semaphore(%run_scoped3A : memref<!tpu.dma_semaphore, #tpu.memory_space<semaphore_mem>>) src(%arg12 : memref<16xf32, #tpu.memory_space<vmem>>) dst(%dma_wait3A_23 : memref<16xf32, #tpu.memory_space<hbm>>)
      tpu.yield
    }) : () -> ()
    return
  }
}

module attributes {stable_mosaic.version = 14 : i64} {
  func.func @_lse_body(%arg0: memref<1000x1000xf32, #tpu.memory_space<vmem>>, %arg1: memref<1000x1xf32, #tpu.memory_space<vmem>>) attributes {dimension_semantics = [], scalar_prefetch = 0 : i64, scratch_operands = 0 : i64, tpu.core_type = #tpu.core_type<tc>} {
    %get3A = arith.constant 0 : index
    %get3A_0 = arith.constant 0 : index
    %get3A_1 = vector.load %arg0[%get3A, %get3A_0] : memref<1000x1000xf32, #tpu.memory_space<vmem>>, vector<1000x1000xf32>
    %reduce_max3A = arith.constant dense<0xFF800000> : vector<1000xf32>
    %reduce_max3A_2 = vector.multi_reduction <maximumf>, %get3A_1, %reduce_max3A [1] : vector<1000x1000xf32> to vector<1000xf32>
    %broadcast_in_dim3A = vector.shape_cast %reduce_max3A_2 : vector<1000xf32> to vector<1000x1xf32>
    %sub3A = vector.broadcast %broadcast_in_dim3A : vector<1000x1xf32> to vector<1000x1000xf32>
    %sub3A_3 = arith.subf %get3A_1, %sub3A : vector<1000x1000xf32>
    %exp3A = math.exp %sub3A_3 : vector<1000x1000xf32>
    %reduce_sum3A = arith.constant dense<0.000000e+00> : vector<1000xf32>
    %reduce_sum3A_4 = vector.multi_reduction <add>, %exp3A, %reduce_sum3A [1] : vector<1000x1000xf32> to vector<1000xf32>
    %broadcast_in_dim3A_5 = vector.shape_cast %reduce_sum3A_4 : vector<1000xf32> to vector<1000x1xf32>
    %log3A = math.log %broadcast_in_dim3A_5 : vector<1000x1xf32>
    %add3A = arith.addf %log3A, %broadcast_in_dim3A : vector<1000x1xf32>
    %swap3A = arith.constant 0 : index
    %swap3A_6 = arith.constant 0 : index
    %swap3A_7 = vector.load %arg1[%swap3A, %swap3A_6] : memref<1000x1xf32, #tpu.memory_space<vmem>>, vector<1000x1xf32>
    tpu.vector_store %arg1[%swap3A, %swap3A_6], %add3A {strides = array<i32>} : memref<1000x1xf32, #tpu.memory_space<vmem>>, vector<1000x1xf32>,
    return
  }
}

module attributes {stable_mosaic.version = 14 : i64} {
  func.func @_mm_body(%arg0: i32, %arg1: memref<2x1x1024xi32, #tpu.memory_space<vmem>>, %arg2: memref<1000x1000xbf16, #tpu.memory_space<vmem>>, %arg3: memref<2x1000x1024xf32, #tpu.memory_space<vmem>>) attributes {dimension_semantics = [#tpu.dimension_semantics<arbitrary>], iteration_bounds = array<i64: 25>, scalar_prefetch = 0 : i64, scratch_operands = 0 : i64, tpu.core_type = #tpu.core_type<tc>, window_params = [{transform_indices = @transform_0, window_bounds = array<i64: 2, 1, 1024>}, {pipeline_mode = #tpu.pipeline_mode<synchronous>, transform_indices = @transform_1, window_bounds = array<i64: 1000, 1000>}, {transform_indices = @transform_2, window_bounds = array<i64: 2, 1000, 1024>}]} {
    %get3A = arith.constant 0 : index
    %get3A_0 = arith.constant 0 : index
    %get3A_1 = arith.constant 0 : index
    %get3A_2 = vector.load %arg1[%get3A, %get3A_0, %get3A_1] : memref<2x1x1024xi32, #tpu.memory_space<vmem>>, vector<1x1x1024xi32>
    %get3A_3 = vector.shape_cast %get3A_2 : vector<1x1x1024xi32> to vector<1024xi32>
    %iota3A = tpu.iota {dimensions = array<i32: 0>} : vector<1000x1024xi32>
    %broadcast_in_dim3A = vector.shape_cast %get3A_3 : vector<1024xi32> to vector<1x1024xi32>
    %eq3A = vector.broadcast %broadcast_in_dim3A : vector<1x1024xi32> to vector<1000x1024xi32>
    %eq3A_4 = arith.cmpi eq, %iota3A, %eq3A : vector<1000x1024xi32>
    %convert_element_type3A = arith.extui %eq3A_4 : vector<1000x1024xi1> to vector<1000x1024xi32>
    %convert_element_type3A_5 = arith.sitofp %convert_element_type3A : vector<1000x1024xi32> to vector<1000x1024xf32>
    %convert_element_type3A_6 = arith.truncf %convert_element_type3A_5 : vector<1000x1024xf32> to vector<1000x1024xbf16>
    %get3A_7 = arith.constant 0 : index
    %get3A_8 = arith.constant 0 : index
    %get3A_9 = vector.load %arg2[%get3A_7, %get3A_8] : memref<1000x1000xbf16, #tpu.memory_space<vmem>>, vector<1000x1000xbf16>
    %dot_general3A = arith.constant dense<0.000000e+00> : vector<1000x1024xf32>
    %dot_general3A_10 = tpu.matmul %get3A_9, %convert_element_type3A_6, %dot_general3A {dimension_numbers = #tpu.dot_dimension_numbers<[1], [0], [0], [1], [0, 0, 1, 1], [], []>, transpose_lhs_hint = false} : vector<1000x1000xbf16>, vector<1000x1024xbf16>, vector<1000x1024xf32> -> vector<1000x1024xf32>
    %swap3A = arith.constant 0 : index
    %swap3A_11 = arith.constant 0 : index
    %swap3A_12 = arith.constant 0 : index
    %swap3A_13 = vector.load %arg3[%swap3A, %swap3A_11, %swap3A_12] : memref<2x1000x1024xf32, #tpu.memory_space<vmem>>, vector<1x1000x1024xf32>
    %swap3A_14 = vector.shape_cast %swap3A_13 : vector<1x1000x1024xf32> to vector<1000x1024xf32>
    %swap3A_15 = vector.shape_cast %dot_general3A_10 : vector<1000x1024xf32> to vector<1x1000x1024xf32>
    tpu.vector_store %arg3[%swap3A, %swap3A_11, %swap3A_12], %swap3A_15 {strides = array<i32>} : memref<2x1000x1024xf32, #tpu.memory_space<vmem>>, vector<1x1000x1024xf32>,
    %get3A_16 = arith.constant 1 : index
    %get3A_17 = arith.constant 0 : index
    %get3A_18 = arith.constant 0 : index
    %get3A_19 = vector.load %arg1[%get3A_16, %get3A_17, %get3A_18] : memref<2x1x1024xi32, #tpu.memory_space<vmem>>, vector<1x1x1024xi32>
    %get3A_20 = vector.shape_cast %get3A_19 : vector<1x1x1024xi32> to vector<1024xi32>
    %iota3A_21 = tpu.iota {dimensions = array<i32: 0>} : vector<1000x1024xi32>
    %broadcast_in_dim3A_22 = vector.shape_cast %get3A_20 : vector<1024xi32> to vector<1x1024xi32>
    %eq3A_23 = vector.broadcast %broadcast_in_dim3A_22 : vector<1x1024xi32> to vector<1000x1024xi32>
    %eq3A_24 = arith.cmpi eq, %iota3A_21, %eq3A_23 : vector<1000x1024xi32>
    %convert_element_type3A_25 = arith.extui %eq3A_24 : vector<1000x1024xi1> to vector<1000x1024xi32>
    %convert_element_type3A_26 = arith.sitofp %convert_element_type3A_25 : vector<1000x1024xi32> to vector<1000x1024xf32>
    %convert_element_type3A_27 = arith.truncf %convert_element_type3A_26 : vector<1000x1024xf32> to vector<1000x1024xbf16>
    %get3A_28 = arith.constant 0 : index
    %get3A_29 = arith.constant 0 : index
    %get3A_30 = vector.load %arg2[%get3A_28, %get3A_29] : memref<1000x1000xbf16, #tpu.memory_space<vmem>>, vector<1000x1000xbf16>
    %dot_general3A_31 = arith.constant dense<0.000000e+00> : vector<1000x1024xf32>
    %dot_general3A_32 = tpu.matmul %get3A_30, %convert_element_type3A_27, %dot_general3A_31 {dimension_numbers = #tpu.dot_dimension_numbers<[1], [0], [0], [1], [0, 0, 1, 1], [], []>, transpose_lhs_hint = false} : vector<1000x1000xbf16>, vector<1000x1024xbf16>, vector<1000x1024xf32> -> vector<1000x1024xf32>
    %swap3A_33 = arith.constant 1 : index
    %swap3A_34 = arith.constant 0 : index
    %swap3A_35 = arith.constant 0 : index
    %swap3A_36 = vector.load %arg3[%swap3A_33, %swap3A_34, %swap3A_35] : memref<2x1000x1024xf32, #tpu.memory_space<vmem>>, vector<1x1000x1024xf32>
    %swap3A_37 = vector.shape_cast %swap3A_36 : vector<1x1000x1024xf32> to vector<1000x1024xf32>
    %swap3A_38 = vector.shape_cast %dot_general3A_32 : vector<1000x1024xf32> to vector<1x1000x1024xf32>
    tpu.vector_store %arg3[%swap3A_33, %swap3A_34, %swap3A_35], %swap3A_38 {strides = array<i32>} : memref<2x1000x1024xf32, #tpu.memory_space<vmem>>, vector<1x1000x1024xf32>,
    return
  }
  func.func @transform_0(%arg0: i32) -> (i32, i32, i32) {
    %c0_i32 = arith.constant 0 : i32
    %c0_i32_0 = arith.constant 0 : i32
    %c0_i32_1 = arith.constant 0 : i32
    return %arg0, %c0_i32, %c0_i32_0 : i32, i32, i32
  }
  func.func @transform_1(%arg0: i32) -> (i32, i32) {
    %c0_i32 = arith.constant 0 : i32
    %c0_i32_0 = arith.constant 0 : i32
    %c0_i32_1 = arith.constant 0 : i32
    return %c0_i32, %c0_i32_0 : i32, i32
  }
  func.func @transform_2(%arg0: i32) -> (i32, i32, i32) {
    %c0_i32 = arith.constant 0 : i32
    %c0_i32_0 = arith.constant 0 : i32
    %c0_i32_1 = arith.constant 0 : i32
    return %arg0, %c0_i32, %c0_i32_0 : i32, i32, i32
  }
}

</mosaic_0001>

<sc_bundles>
// kernel: kernel.5.cloned.1.call-start
scs
__scs_entry_jumppad:
0x0: {  	(pc) =	sbr.rel $0x88, $3  }
0x1: {  	(tag) =	ssettag $0x0;
	lr =	simm.s32 $0x1  }
0x2: {  	[smem:$0x3F9E] =	sst lr;
	_ =	strace $0xD0000000  }
0x3: {  	_ = 	snop  }
0x4: {  	_ = 	snop  }
0x5: {  	_ = 	snop  }
0x6: {  	_ = 	snop  }
0x7: {  	_ = 	snop  }
__scs_overlays_trampoline_lowered:
0x8: {  	[smem:$0x3FAD] =	sst s0  }
0x9: {  	[smem:$0x3FAE] =	sst s1  }
0xa: {  	[smem:$0x3FAF] =	sst s2  }
0xb: {  	[smem:$0x3FB0] =	sst s3  }
0xc: {  	[smem:$0x3FB1] =	sst s4  }
0xd: {  	[smem:$0x3FB2] =	sst s5  }
0xe: {  	[smem:$0x3FB3] =	sst s6  }
0xf: {  	[smem:$0x3FB4] =	sst s7  }
0x10: {  	[smem:$0x3FB5] =	sst s8  }
0x11: {  	[smem:$0x3FB6] =	sst s9;
	s0 =	simm.s32 @!p0 $0x0  }
0x12: {  	s1 =	sld [smem:$0x3F9C];
	s0 =	simm.s32 @p0 $0x1  }
0x13: {  	[smem:$0x3FB7] =	sst s0;
	s0 =	simm.s32 @!p1 $0x0  }
0x14: {  	s2 =	sld [smem:$0x3F9B];
	s0 =	simm.s32 @p1 $0x1  }
0x15: {  	[smem:$0x3FB8] =	sst s0;
	s0 =	simm.s32 @!p2 $0x0  }
0x16: {  	s3 =	sld [smem:$0x3FDB];
	s0 =	simm.s32 @p2 $0x1  }
0x17: {  	s4 =	simm.s32 $0x1BF5;
	[smem:$0x3FBA] =	sst s0  }
0x18: {  	s0 =	sld [smem:$0x3F9D];
	_ =	swait.ge [sflag:s4], $0x0  }
0x19: {  	s7 =	sld [smem:$0x3F9E]  }
0x1a: {  	s8 =	sadd.s32 $0xFFFFE003, lr  }
0x1b: {  	s9 =	sadd.s32 $0xFFFFFEF7, lr;
	s5 =	simm.s32 $0xFFFFFFFF;
	p2 =	slt.u32 s8, $0xFFFFF086  }
0x1c: {  	p1 =	slt.u32 s9, $0xF7A;
	s5 =	simm.s32 @!p2 $0x0  }
0x1d: {  	s5 =	simm.s32 @p1 $0x1;
	p0 =	seq.s32 s7, s2  }
0x1e: {  	s7 =	smul.u32 @!p0 $0xF7A, s2;
	p2 =	seq.s32 @!p0 s5, $0x0  }
0x1f: {  	s9 =	smul.u32 $0xF7A, s1;
	s8 =	simm.s32 @!p0 $0x1BF5;
	p2 =	por !p2, p0  }
0x20: {  	[sflag:s8] =	ssyncset.s32 @!p0 $0xFFFFF086;
	s6 =	sadd.s32 @!p0 s3, s7;
	s7 =	simm.s32 @!p0 $0x108  }
0x21: {  	s3 =	sadd.s32 s3, s9;
	s6 =	sadd.s32 @!p0 $0x88, s6;
	s7 =	simm.s32 @p2 $0x1082  }
0x22: {  	[simem:s7], [sflag:s8] =	dma.local @!p0 [hbm:s6], $0xF7A  }
0x23: {  	s9 =	sor.u32 $0xD0000000, s2;
	s6 =	simm.s32 $0x108;
	_ =	swait.ge @!p0 [sflag:s8], $0x0  }
0x24: {  	s3 =	sadd.s32 $0x88, s3;
	s6 =	simm.s32 @!p1 $0x1082;
	[sflag:s4] =	ssyncset.s32 $0xFFFFF086  }
0x25: {  	[simem:s6], [sflag:s4] =	dma.local [hbm:s3], $0xF7A  }
0x26: {  	[smem:$0x3F9E] =	sst s1;
	(tag) =	ssettag s2;
	_ =	strace s9  }
0x27: {  	s1 =	sld [smem:$0x3FAE]  }
0x28: {  	s2 =	sld [smem:$0x3FAF]  }
0x29: {  	s4 =	sld [smem:$0x3FB1]  }
0x2a: {  	p0 =	seq.s32 s5, $0x0;
	s5 =	sld [smem:$0x3FB2]  }
0x2b: {  	s6 =	sld [smem:$0x3FB3]  }
0x2c: {  	s7 =	sld [smem:$0x3FB4]  }
0x2d: {  	s3 =	simm.s32 $0x108;
	s8 =	sld [smem:$0x3FB5]  }
0x2e: {  	s3 =	simm.s32 @!p0 $0x1082;
	s9 =	sld [smem:$0x3FB6]  }
0x2f: {  	lr =	sadd.s32 s0, s3;
	s0 =	sld [smem:$0x3FAD]  }
0x30: {  	s3 =	sld [smem:$0x3FB0]  }
0x31: {  	[smem:$0x3FB9] =	sst s10  }
0x32: {  	s10 =	sld [smem:$0x3FB7];
	_ =	sdelay $0x3  }
0x33: {  	p0 =	seq.s32 s10, $0x1;
	s10 =	sld [smem:$0x3FB9];
	_ =	sdelay $0x3  }
0x34: {  	[smem:$0x3FB9] =	sst s10  }
0x35: {  	s10 =	sld [smem:$0x3FB8];
	_ =	sdelay $0x3  }
0x36: {  	p1 =	seq.s32 s10, $0x1;
	s10 =	sld [smem:$0x3FB9];
	_ =	sdelay $0x3  }
0x37: {  	[smem:$0x3FB9] =	sst s10  }
0x38: {  	s10 =	sld [smem:$0x3FBA]  }
0x39: {  	_ = 	snop;
	(pc) =	sbr.ind lr, $3  }
0x3a: {  	_ = 	snop  }
0x3b: {  	_ = 	snop  }
0x3c: {  	p2 =	seq.s32 s10, $0x1;
	s10 =	sld [smem:$0x3FB9]  }
0x3d: {  	_ =	shalt  }
0x3e: {  	_ =	shalt  }
0x3f: {  	_ =	shalt  }
0x40: {  	_ =	shalt  }
0x41: {  	_ =	shalt  }
0x42: {  	_ =	shalt  }
0x43: {  	_ =	shalt  }
0x44: {  	_ =	shalt  }
0x45: {  	_ =	shalt  }
0x46: {  	_ =	shalt  }
0x47: {  	_ =	shalt  }
0x48: {  	_ =	shalt  }
0x49: {  	_ =	shalt  }
0x4a: {  	_ =	shalt  }
0x4b: {  	_ =	shalt  }
0x4c: {  	_ =	shalt  }
0x4d: {  	_ =	shalt  }
0x4e: {  	_ =	shalt  }
0x4f: {  	_ =	shalt  }
0x50: {  	_ =	shalt  }
0x51: {  	_ =	shalt  }
0x52: {  	_ =	shalt  }
0x53: {  	_ =	shalt  }
0x54: {  	_ =	shalt  }
0x55: {  	_ =	shalt  }
0x56: {  	_ =	shalt  }
0x57: {  	_ =	shalt  }
0x58: {  	_ =	shalt  }
0x59: {  	_ =	shalt  }
0x5a: {  	_ =	shalt  }
0x5b: {  	_ =	shalt  }
0x5c: {  	_ =	shalt  }
0x5d: {  	_ =	shalt  }
0x5e: {  	_ =	shalt  }
0x5f: {  	_ =	shalt  }
0x60: {  	_ =	shalt  }
0x61: {  	_ =	shalt  }
0x62: {  	_ =	shalt  }
0x63: {  	_ =	shalt  }
0x64: {  	_ =	shalt  }
0x65: {  	_ =	shalt  }
0x66: {  	_ =	shalt  }
0x67: {  	_ =	shalt  }
0x68: {  	_ =	shalt  }
0x69: {  	_ =	shalt  }
0x6a: {  	_ =	shalt  }
0x6b: {  	_ =	shalt  }
0x6c: {  	_ =	shalt  }
0x6d: {  	_ =	shalt  }
0x6e: {  	_ =	shalt  }
0x6f: {  	_ =	shalt  }
0x70: {  	_ =	shalt  }
0x71: {  	_ =	shalt  }
0x72: {  	_ =	shalt  }
0x73: {  	_ =	shalt  }
0x74: {  	_ =	shalt  }
0x75: {  	_ =	shalt  }
0x76: {  	_ =	shalt  }
0x77: {  	_ =	shalt  }
0x78: {  	_ =	shalt  }
0x79: {  	_ =	shalt  }
0x7a: {  	_ =	shalt  }
0x7b: {  	_ =	shalt  }
0x7c: {  	_ =	shalt  }
0x7d: {  	_ =	shalt  }
0x7e: {  	_ =	shalt  }
0x7f: {  	_ =	shalt  }
0x80: {  	_ =	shalt  }
0x81: {  	_ =	shalt  }
0x82: {  	_ =	shalt  }
0x83: {  	_ =	shalt  }
0x84: {  	_ =	shalt  }
0x85: {  	_ =	shalt  }
0x86: {  	_ =	shalt  }
0x87: {  	_ =	shalt  }
.Lfunc_end0:
.L_simem_size_0:
called_computation_lowered:
.L_overlay_start_0:
0x88: {  	s2 =	sld [smem:$0x3FD9]  }
0x89: {  	s3 =	sld [smem:$0x3FFE];
	_ =	sdelay $0x1  }
0x8a: {  	s1 =	srdreg.scid  }
0x8b: {  	s0 =	sand.u32 $0x1, s1  }
0x8c: {  	s16 =	sshll.u32 s0, $0xA;
	s2 =	sadd.s32 s3, s2  }
0x8d: {  	s2 =	sadd.s32 s2, s16  }
0x8e: {  	[smem:$0x3FC5] =	sst s2  }
0x8f: {  	_ = 	snop  }
0x90: {  	(tm) =	ssettm $0x1  }
0x91: {  	s17 =	sld [smem:$0x3FFB];
	_ =	sdelay $0x3  }
0x92: {  	_ =	strace s17  }
0x93: {  	s2 =	sld [smem:$0x3FFC];
	_ =	sdelay $0x3  }
0x94: {  	_ =	strace s2  }
0x95: {  	s2 =	sld [smem:$0x3FFD];
	_ =	sdelay $0x3  }
0x96: {  	_ =	strace s2  }
0x97: {  	_ =	strace $0x8FFFFFFF  }
0x98: {  	s18 =	sld [smem:$0x3FDB];
	_ =	sdelay $0x1  }
0x99: {  	s19 =	simm.s32 $_scs_section_size  }
0x9a: {  	s4 =	simm.s32 $_size__tile_overlayer_lowered;
	s5 =	simm.s32 $_tile_overlayer_lowered  }
0x9b: {  	s22 =	simm.s32 $0x1BFF;
	s21 =	sshll.u32 s5, $0x1;
	s2 =	sadd.s32 s19, s18  }
0x9c: {  	s6 =	simm.s32 $0x0;
	s20 =	sshll.u32 s4, $0x1;
	s4 =	sadd.s32 s21, s2  }
0x9d: {  	[timem:s6], [sflag:s22] =	dma.local [hbm:s4], s20  }
0x9e: {  	_ =	swait.ge [sflag:s22], s20  }
0x9f: {  	s3 =	ssub.s32 $0x0, s20;
	[sflag:s22] =	ssyncset.done $0x0  }
0xa0: {  	[sflag:s22] =	ssyncadd.s32 s3;
	_ =	sdelay $0x1  }
0xa1: {  	s23 =	simm.s32 $0x1B8B  }
0xa2: {  	_ =	swait.ge [sflag:s23], $0x1  }
0xa3: {  	[sflag:s23] =	ssyncset.done $0x0  }
0xa4: {  	s25 =	simm.s32 $0x1B8E;
	s24 =	sld [smem:$0x3FFE];
	[sflag:s23] =	ssyncadd.s32 $0xFFFFFFFF  }
0xa5: {  	s26 =	simm.s32 $execute0_lowered;
	[smem:$0x3FD2] =	sst s25  }
0xa6: {  	s4 =	sshll.u32 s26, $0x1;
	_ =	strace $0x80000046;
	[dreg:$0x1] =	wrdreg $0xFFFFFFFF  }
0xa7: {  	s28 =	simm.s32 $_size_execute0_lowered;
	s2 =	sadd.s32 s2, s4;
	[dreg:$0x0] =	wrdreg $0x0  }
0xa8: {  	s4 =	sshll.u32 s28, $0x1;
	[dreg:$0x2] =	wrdreg s2  }
0xa9: {  	[dreg:$0x3] =	wrdreg s4  }
0xaa: {  	[dreg:$0x4] =	wrdreg $0xC0  }
0xab: {  	_ =	task [dreg:s6], $0x5FFFF  }
0xac: {  	[dreg:$0x1] =	wrdreg $0xFFFFFFFF  }
0xad: {  	[dreg:$0x0] =	wrdreg $0x60  }
0xae: {  	[dreg:$0x2] =	wrdreg s24  }
0xaf: {  	[dreg:$0x3] =	wrdreg $0x9  }
0xb0: {  	_ =	task.clear_ibuf [dreg:s6], $0x4FFFF;
	_ =	strace $0x90000046  }
0xb1: {  	s29 =	simm.s32 $0x9;
	_ =	strace $0x80000048  }
0xb2: {  	_ =	swait.ge [sflag:s29], $0x1  }
0xb3: {  	[sflag:s29] =	ssyncadd.s32 $0xFFFFFFFF  }
0xb4: {  	_ =	strace $0x90000048  }
0xb5: {  	_ =	sfence  }
0xb6: {  	s30 =	sld [smem:$0x0];
	_ =	sdelay $0x2  }
0xb7: {  	s31 =	sshll.u32 s1, $0xD;
	s1 =	sshrl.u32 s1, $0x2  }
0xb8: {  	s3 =	sand.u32 $0x4000, s31;
	s1 =	sadd.s32 s1, s30  }
0xb9: {  	s0 =	sor.u32 s3, s0;
	s1 =	sshll.u32 s1, $0x11  }
0xba: {  	s0 =	sor.u32 s1, s0  }
0xbb: {  	s0 =	sadd.s32 $0x8F2B, s0  }
0xbc: {  	[sflag:s0] =	ssyncadd.remote.s32 $0x1  }
0xbd: {  	_ =	sfence.sel $0xFFFF  }
0xbe: {  	[dreg:$0x0] =	wrdreg $0xFFFFFFFF;
	(pc) =	sbr.abs _section_cstart, $3  }
0xbf: {  	[dreg:$0x1] =	wrdreg $0xFFFFFFFF  }
0xc0: {  	_ =	task.clear_ibuf [dreg:s6], $0x2FFFF;
	_ =	strace $0x9FFFFFFF  }
0xc1: {  	(tm) =	ssettm $0x7FFFFFFF  }
tec
execute0_lowered:
.L_overlay_start_1:
0x0: {  	(tag) =	ssettag $0x1  }
0x1: {  	s1 =	srdreg.scid  }
0x2: {  	s0 =	stileid.u32;
	s2 =	rddreg [dreg:$0x0];
	s3 =	simm.s32 $0x0  }
0x3: {  	s10 =	simm.s32 $0x640;
	s11 =	simm.s32 $0xC80;
	s12 =	simm.s32 $0x40  }
0x4: {  	s13 =	simm.s32 $0x1080;
	s14 =	simm.s32 $0x10C0;
	s15 =	simm.s32 $0x1  }
0x5: {  	s16 =	simm.s32 $0x1100;
	s4 =	sand.u32 $0x1, s1;
	s1 =	rddreg [dreg:$0x1]  }
0x6: {  	s17 =	simm.s32 $0x0;
	s31 =	sshll.u32 s0, $0x1;
	[smem:$0x7FF] =	sst s3  }
0x7: {  	s5 =	sor.u32 s4, s31;
	_ =	strace $0x80000047;
	s7 =	ssub.s32 $0x2, s4  }
0x8: {  	s6 =	smul.u32 $0xC8, s5;
	s5 =	sshll.u32 s5, $0x1;
	s8 =	sshrl.u32 s7, $0x1  }
0x9: {  	s4 =	sadd.s32 $0x21E00, s2;
	s9 =	sadd.s32 s5, s2;
	s8 =	ssub.s32 s7, s8  }
0xa: {  	s6 =	sadd.s32 s6, s2;
	s7 =	sadd.s32 $0x22000, s9;
	s8 =	smax.u32 s8, $0x1  }
0xb: {  	s9 =	simm.s32 $0x2;
	s5 =	sadd.s32 $0x20400, s6;
	s6 =	sadd.s32 $0x1EA00, s6  }
.LBB2_1:
0xc: {  	[tilespmem:s3], [sflag:$0x2] =	stream.linear.gather [hbm4b:s5+s3], $0x640, $0x38;
	[tilespmem:$0x1110] =	vst v63  }
0xd: {  	_ =	swait.ge [sflag:s9], $0x640  }
0xe: {  	[sflag:s9] =	ssyncset.done $0x0  }
0xf: {  	[sflag:s9] =	ssyncadd.s32 $0xFFFFF9C0  }
0x10: {  	[tilespmem:s10], [sflag:$0x2] =	stream.linear.gather [hbm4b:s6+s3], $0x640, $0x38;
	[tilespmem:$0x1110] =	vst v63  }
0x11: {  	_ =	swait.ge [sflag:s9], $0x640  }
0x12: {  	[sflag:s9] =	ssyncset.done $0x0  }
0x13: {  	[sflag:s9] =	ssyncadd.s32 $0xFFFFF9C0  }
0x14: {  	[tilespmem:s11], [sflag:$0x2] =	stream.linear.gather [hbm4b:s4+s3], $0x400, $0x38;
	[tilespmem:$0x1110] =	vst v63  }
0x15: {  	_ =	swait.ge [sflag:s9], $0x400  }
0x16: {  	[sflag:s9] =	ssyncset.done $0x0  }
0x17: {  	s18 =	simm.s32 $0x0;
	[sflag:s9] =	ssyncadd.s32 $0xFFFFFC00  }
0x18: {  	v1 =	vld [tilespmem:s18+$0x0];
	_ =	sdelay $0x1  }
0x19: {  	v0 =	vld [tilespmem:s18+$0x640];
	_ =	sdelay $0x2  }
0x1a: {  	v2 =	vmul.u32 $0x3E8, v1;
	_ =	sdelay $0x1  }
0x1b: {  	v0 =	vadd.s32 v0, v2  }
0x1c: {  	[tilespmem:$0x1080] =	vst v0  }
0x1d: {  	v0 =	vld [tilespmem:s18+$0x10];
	_ =	sdelay $0x1  }
0x1e: {  	v2 =	vld [tilespmem:s18+$0x650];
	_ =	sdelay $0x2  }
0x1f: {  	v3 =	vmul.u32 $0x3E8, v0;
	_ =	sdelay $0x1  }
0x20: {  	v2 =	vadd.s32 v2, v3  }
0x21: {  	[tilespmem:$0x1090] =	vst v2  }
0x22: {  	v2 =	vld [tilespmem:s18+$0x20];
	_ =	sdelay $0x1  }
0x23: {  	v3 =	vld [tilespmem:s18+$0x660];
	_ =	sdelay $0x2  }
0x24: {  	v4 =	vmul.u32 $0x3E8, v2;
	_ =	sdelay $0x1  }
0x25: {  	v3 =	vadd.s32 v3, v4  }
0x26: {  	[tilespmem:$0x10A0] =	vst v3  }
0x27: {  	v3 =	vld [tilespmem:s18+$0x30];
	_ =	sdelay $0x1  }
0x28: {  	v4 =	vld [tilespmem:s18+$0x670];
	_ =	sdelay $0x2  }
0x29: {  	v5 =	vmul.u32 $0x3E8, v3;
	_ =	sdelay $0x1  }
0x2a: {  	v4 =	vadd.s32 v4, v5  }
0x2b: {  	[tilespmem:$0x10B0] =	vst v4  }
0x2c: {  	[tilespmem:s14], [sflag:$0x1] =	stream.indirect.gather [hbm4b:s2+s12], $0x1, s13, s12, $0xb8;
	[tilespmem:$0x1110] =	vst v63  }
0x2d: {  	_ =	swait.ge [sflag:s15], $0x40  }
0x2e: {  	[sflag:s15] =	ssyncset.done $0x0  }
0x2f: {  	[sflag:s15] =	ssyncadd.s32 $0xFFFFFFC0  }
0x30: {  	v4 =	vld.idx.msk [tilespmem:v0+s11+$0x0], $0xffff  }
0x31: {  	s18 =	simm.s32 $0x40;
	v5 =	vld [tilespmem:$0x10C0]  }
0x32: {  	v0 =	vld [tilespmem:s18+$0x0]  }
0x33: {  	v1 =	vld.idx.msk [tilespmem:v1+s11+$0x0], $0xffff  }
0x34: {  	v6 =	vld [tilespmem:s18+$0x640]  }
0x35: {  	v7 =	vld [tilespmem:$0x10D0]  }
0x36: {  	v8 =	vld.idx.msk [tilespmem:v2+s11+$0x0], $0xffff  }
0x37: {  	v9 =	vld [tilespmem:$0x10E0]  }
0x38: {  	v2 =	vld.idx.msk [tilespmem:v3+s11+$0x0], $0xffff;
	v10 =	vmul.u32 $0x3E8, v0;
	v1 =	vsub.f32 v1, v5  }
0x39: {  	v3 =	vld [tilespmem:$0x10F0];
	v5 =	vimm.f32 $0.0e+00  }
0x3a: {  	v4 =	vsub.f32 v4, v7;
	v6 =	vadd.s32 v6, v10;
	v5 =	vadd.f32 v1, v5  }
0x3b: {  	[tilespmem:$0x1080] =	vst v6  }
0x3c: {  	v1 =	vld [tilespmem:s18+$0x10];
	v4 =	vadd.f32 v4, v5;
	v5 =	vsub.f32 v8, v9  }
0x3d: {  	s19 =	simm.s32 $0x200;
	v6 =	vld [tilespmem:s18+$0x650]  }
.LBB2_2:
0x3e: {  	p0 =	sne.s32 s19, $0x1800;
	v4 =	vadd.f32 v5, v4;
	v2 =	vsub.f32 v2, v3;
	s20 =	smov.u32 s19;
	s19 =	sadd.s32 $0x100, s19  }
0x3f: {  	_ = 	snop  }
0x40: {  	v4 =	vadd.f32 v2, v4  }
0x41: {  	v2 =	vmul.u32 $0x3E8, v1;
	_ =	sdelay $0x1  }
0x42: {  	v2 =	vadd.s32 v6, v2  }
0x43: {  	[tilespmem:$0x1090] =	vst v2  }
0x44: {  	v2 =	vld [tilespmem:s18+$0x20];
	_ =	sdelay $0x1  }
0x45: {  	v3 =	vld [tilespmem:s18+$0x660];
	_ =	sdelay $0x2  }
0x46: {  	v5 =	vmul.u32 $0x3E8, v2;
	_ =	sdelay $0x1  }
0x47: {  	v3 =	vadd.s32 v3, v5  }
0x48: {  	[tilespmem:$0x10A0] =	vst v3  }
0x49: {  	v3 =	vld [tilespmem:s18+$0x30];
	_ =	sdelay $0x1  }
0x4a: {  	v5 =	vld [tilespmem:s18+$0x670];
	_ =	sdelay $0x2  }
0x4b: {  	v6 =	vmul.u32 $0x3E8, v3;
	_ =	sdelay $0x1  }
0x4c: {  	v5 =	vadd.s32 v5, v6  }
0x4d: {  	[tilespmem:$0x10B0] =	vst v5  }
0x4e: {  	[tilespmem:s14], [sflag:$0x1] =	stream.indirect.gather [hbm4b:s2+s12], $0x1, s13, s12, $0xb8;
	[tilespmem:$0x1110] =	vst v63  }
0x4f: {  	_ =	swait.ge [sflag:s15], $0x40  }
0x50: {  	[sflag:s15] =	ssyncset.done $0x0  }
0x51: {  	[sflag:s15] =	ssyncadd.s32 $0xFFFFFFC0  }
0x52: {  	v1 =	vld.idx.msk [tilespmem:v1+s11+$0x0], $0xffff  }
0x53: {  	v5 =	vld [tilespmem:$0x10C0]  }
0x54: {  	s18 =	sshra.s32 s20, $0x2;
	v6 =	vld.idx.msk [tilespmem:v0+s11+$0x0], $0xffff  }
0x55: {  	v0 =	vld [tilespmem:s18+$0x0]  }
0x56: {  	v7 =	vld [tilespmem:$0x10D0]  }
0x57: {  	v8 =	vld [tilespmem:s18+$0x640]  }
0x58: {  	v9 =	vld.idx.msk [tilespmem:v2+s11+$0x0], $0xffff  }
0x59: {  	v10 =	vld [tilespmem:$0x10E0]  }
0x5a: {  	v5 =	vsub.f32 v6, v5;
	v11 =	vmul.u32 $0x3E8, v0;
	v2 =	vld.idx.msk [tilespmem:v3+s11+$0x0], $0xffff  }
.Ltmp0:
0x5b: {  	v6 =	vsub.f32 v1, v7;
	v3 =	vld [tilespmem:$0x10F0];
	(pc) =	sbr.rel @p0 .LBB2_2-.Ltmp0, $4  }
0x5c: {  	v4 =	vadd.f32 v5, v4;
	v1 =	vadd.s32 v8, v11  }
0x5d: {  	[tilespmem:$0x1080] =	vst v1  }
0x5e: {  	v4 =	vadd.f32 v6, v4;
	v1 =	vld [tilespmem:s18+$0x10];
	v5 =	vsub.f32 v9, v10  }
0x5f: {  	v6 =	vld [tilespmem:s18+$0x650]  }
0x60: {  	_ =	sdelay $0x2  }
0x61: {  	v7 =	vmul.u32 $0x3E8, v1;
	_ =	sdelay $0x1  }
0x62: {  	v6 =	vadd.s32 v6, v7  }
0x63: {  	[tilespmem:$0x1090] =	vst v6  }
0x64: {  	v6 =	vld [tilespmem:s18+$0x20];
	_ =	sdelay $0x1  }
0x65: {  	v53 =	vld [tilespmem:s18+$0x660];
	_ =	sdelay $0x2  }
0x66: {  	v8 =	vmul.u32 $0x3E8, v6;
	_ =	sdelay $0x1  }
0x67: {  	v7 =	vadd.s32 v53, v8  }
0x68: {  	[tilespmem:$0x10A0] =	vst v7  }
0x69: {  	v7 =	vld [tilespmem:s18+$0x30];
	_ =	sdelay $0x1  }
0x6a: {  	v54 =	vld [tilespmem:s18+$0x670];
	_ =	sdelay $0x2  }
0x6b: {  	v9 =	vmul.u32 $0x3E8, v7;
	_ =	sdelay $0x1  }
0x6c: {  	v8 =	vadd.s32 v54, v9  }
0x6d: {  	[tilespmem:$0x10B0] =	vst v8  }
0x6e: {  	[tilespmem:s14], [sflag:$0x1] =	stream.indirect.gather [hbm4b:s2+s12], $0x1, s13, s12, $0xb8;
	[tilespmem:$0x1110] =	vst v63  }
0x6f: {  	_ =	swait.ge [sflag:s15], $0x40  }
0x70: {  	[sflag:s15] =	ssyncset.done $0x0  }
0x71: {  	[sflag:s15] =	ssyncadd.s32 $0xFFFFFFC0  }
0x72: {  	v55 =	vld [tilespmem:$0x10C0]  }
0x73: {  	v0 =	vld.idx.msk [tilespmem:v0+s11+$0x0], $0xffff  }
0x74: {  	v56 =	vld.idx.msk [tilespmem:v1+s11+$0x0], $0xffff  }
0x75: {  	v57 =	vld [tilespmem:$0x10D0]  }
0x76: {  	v4 =	vadd.f32 v5, v4;
	v2 =	vsub.f32 v2, v3;
	v58 =	vld.idx.msk [tilespmem:v6+s11+$0x0], $0xffff  }
0x77: {  	v59 =	vld [tilespmem:$0x10E0]  }
0x78: {  	v2 =	vadd.f32 v2, v4;
	v60 =	vld.idx.msk [tilespmem:v7+s11+$0x0], $0xffff;
	v0 =	vsub.f32 v0, v55  }
0x79: {  	v61 =	vld [tilespmem:$0x10F0]  }
0x7a: {  	v1 =	vsub.f32 v56, v57;
	v0 =	vadd.f32 v0, v2;
	_ =	sdelay $0x1  }
0x7b: {  	v62 =	vsub.f32 v58, v59;
	v0 =	vadd.f32 v1, v0;
	_ =	sdelay $0x1  }
0x7c: {  	v63 =	vsub.f32 v60, v61;
	v0 =	vadd.f32 v62, v0;
	_ =	sdelay $0x1  }
0x7d: {  	v0 =	vadd.f32 v63, v0;
	_ =	sdelay $0x1  }
0x7e: {  	(xrf2) =	vadd.scan.msk.f32 $0xffff, v0;
	_ =	sdelay $0x9  }
0x7f: {  	v0, _, _ =	vpop (xrf2)  }
0x80: {  	s17 =	sadd.s32 $0x1, s17;
	v0 =	vbroadcast v0, $0xF  }
0x81: {  	p0 =	sne.s32 s17, s8  }
.Ltmp1:
0x82: {  	[tilespmem:$0x1100] =	vst v0;
	(pc) =	sbr.rel @p0 .LBB2_1-.Ltmp1, $4  }
0x83: {  	[hbm4b:s7+s3] =	stream.linear.scatter [tilespmem:s16], [sflag:$0x2], $0x10, $0x38;
	[tilespmem:$0x1110] =	vst v63  }
0x84: {  	_ =	swait.ge [sflag:s9], $0x10  }
0x85: {  	[sflag:s9] =	ssyncset.done $0x0  }
0x86: {  	[sflag:s9] =	ssyncadd.s32 $0xFFFFFFF0  }
0x87: {  	_ =	sfence.sel $0x180000  }
0x88: {  	[bflag:$0x0] =	sbarrier.arrive $0xFFFF  }
0x89: {  	p0 =	sne.s32 s0, $0x0;
	_ =	strace $0x90000047  }
0x8a: {  	s0 =	sadd.s32 @!p0 $0x100000, s1;
	[bflag:$0x2] =	sbarrier.arrive $0xFFFF  }
0x8b: {  	[sflag:s0] =	ssyncadd.tile.s32 @!p0 $0x1;
	_ =	shalt  }
.Lfunc_end2:
_tile_overlayer_lowered:
.L_overlay_start_2:
0x8c: {  	(tag) =	ssettag $0x2  }
0x8d: {  	s0 =	rddreg [dreg:$0x0];
	s2 =	stileid.u32  }
0x8e: {  	s1 =	rddreg [dreg:$0x1];
	p0 =	sne.s32 s2, $0x0  }
0x8f: {  	s3 =	rddreg [dreg:$0x2];
	[bflag:$0x3] =	sbarrier.arrive $0xFFFF;
	s2 =	simm.s32 @!p0 $0x1C02  }
0x90: {  	[timem:s3], [sflag:s2] =	dma.local @!p0 [hbm:s0], s1  }
0x91: {  	s0 =	simm.s32 @!p0 $0x2  }
0x92: {  	_ =	swait.ge @!p0 [sflag:s0], s1  }
0x93: {  	s1 =	ssub.s32 @!p0 $0x0, s1;
	[sflag:s0] =	ssyncset.done @!p0 $0x0  }
0x94: {  	[sflag:s0] =	ssyncadd.s32 @!p0 s1  }
0x95: {  	[bflag:$0x3] =	sbarrier.arrive $0xFFFF  }
0x96: {  	_ =	shalt  }

</sc_bundles>
